<compile_context>
chip_gen: v7x
topology: tpu7x:2x2x1
jax: 0.10.2.dev20260603
libtpu: 0.0.44.dev20260713+nightly
codegen_flags: <defaults>
</compile_context>

<pallas_src>
import functools

import jax
import jax.numpy as jnp
from jax import lax
from jax.experimental import pallas as pl
from jax.experimental.pallas import tpu as pltpu
from jax.experimental.pallas import tpu_sc as plsc

LATENT = 128
N_POS = 2000
N_NEG = 200
N_EDGE = N_POS + N_NEG
NC, NS = 2, 16
NW = NC * NS
POS_Q = 64
NEG_Q = 8
CHUNK = POS_Q + NEG_Q
PAD = NW * CHUNK
POS_LAST = N_POS - POS_Q
NEG_LAST = N_NEG - NEG_Q
POS_DUP = POS_Q * NW - N_POS
NEG_FULL = N_NEG // NEG_Q


@functools.cache
def _make_sc_gather():
    mesh = plsc.VectorSubcoreMesh(core_axis_name="c", subcore_axis_name="s")

    @functools.partial(
        pl.kernel,
        out_type=jax.ShapeDtypeStruct((2, NW, CHUNK, LATENT), jnp.float32),
        mesh=mesh,
        scratch_types=[
            pltpu.VMEM((2, CHUNK), jnp.int32),
            pltpu.VMEM((2, CHUNK, LATENT), jnp.float32),
            pltpu.SemaphoreType.DMA,
            pltpu.SemaphoreType.DMA,
        ],
    )
    def _sc_gather(table_hbm, edge_hbm, out_hbm, idx_v, rows_v,
                   sem_i, sem_g):
        wid = lax.axis_index("s") * NC + lax.axis_index("c")
        off_p = jnp.minimum(wid * POS_Q, POS_LAST)
        off_n = jnp.minimum(wid * NEG_Q, NEG_LAST)
        loads = []
        for h in range(2):
            loads.append(pltpu.async_copy(
                edge_hbm.at[pl.ds(h * N_EDGE + off_p, POS_Q)],
                idx_v.at[h, pl.ds(0, POS_Q)], sem_i))
            loads.append(pltpu.async_copy(
                edge_hbm.at[pl.ds(h * N_EDGE + N_POS + off_n, NEG_Q)],
                idx_v.at[h, pl.ds(POS_Q, NEG_Q)], sem_i))
        for c in loads:
            c.wait()
        gathers = [
            pltpu.async_copy(table_hbm.at[idx_v.at[h]], rows_v.at[h], sem_g)
            for h in range(2)
        ]
        for g in gathers:
            g.wait()
        pltpu.sync_copy(rows_v, out_hbm.at[:, wid])

    return _sc_gather


def _tc_mlp_loss(g_ref, w1_ref, b1_ref, w2_ref, b2_ref, out_ref):
    src = g_ref[0]
    tgt = g_ref[1]
    w1 = w1_ref[...]
    h = lax.dot_general(src, w1[:, :LATENT], (((1,), (1,)), ((), ())),
                        preferred_element_type=jnp.float32)
    h = h + lax.dot_general(tgt, w1[:, LATENT:], (((1,), (1,)), ((), ())),
                            preferred_element_type=jnp.float32)
    h = jnp.maximum(h + b1_ref[...], 0.0)
    s = lax.dot_general(w2_ref[...], h, (((1,), (1,)), ((), ())),
                        preferred_element_type=jnp.float32)
    s = s + b2_ref[0, 0]
    rows = lax.broadcasted_iota(jnp.int32, (1, PAD), 1)
    w = rows // CHUNK
    k = rows - w * CHUNK
    is_pos = k < POS_Q
    valid = jnp.logical_or(
        jnp.logical_and(is_pos, jnp.logical_or(w < NW - 1, k >= POS_DUP)),
        jnp.logical_and(jnp.logical_not(is_pos), w < NEG_FULL),
    )
    label = is_pos.astype(jnp.float32)
    per = jnp.maximum(s, 0.0) - s * label + jnp.log1p(jnp.exp(-jnp.abs(s)))
    per = jnp.where(valid, per, 0.0)
    out_ref[0, 0] = jnp.sum(per) * (1.0 / N_EDGE)


def kernel(v_gene, pos_edge_index, neg_edge_index, W1, b1, W2, b2):
    edges = jnp.concatenate(
        [pos_edge_index.astype(jnp.int32), neg_edge_index.astype(jnp.int32)],
        axis=1).reshape(-1)
    gathered = _make_sc_gather()(v_gene, edges)
    g = gathered.reshape(2, PAD, LATENT)

    loss = pl.pallas_call(
        _tc_mlp_loss,
        out_shape=jax.ShapeDtypeStruct((1, 1), jnp.float32),
        in_specs=[
            pl.BlockSpec(memory_space=pltpu.VMEM),
            pl.BlockSpec(memory_space=pltpu.VMEM),
            pl.BlockSpec(memory_space=pltpu.VMEM),
            pl.BlockSpec(memory_space=pltpu.VMEM),
            pl.BlockSpec(memory_space=pltpu.SMEM),
        ],
        out_specs=pl.BlockSpec(memory_space=pltpu.SMEM),
    )(g, W1, b1.reshape(1, LATENT), W2, b2.reshape(1, 1))
    return loss[0, 0]

# --- scband reference (transcript-rebuilt; emitter-appended) ---
"""Pipeline reference for scband-graph-decoder-30253749633092 (READ-ONLY COPY).

The authoritative reference and input builder live on the scoring server;
editing this copy changes nothing except your own understanding.
"""

import jax, jax.numpy as jnp
import numpy as np

LATENT = 128
HIDDEN = 128
N_GENES = 100000


def _mlp(x, W1, b1, W2, b2):
    h = jax.nn.relu(x @ W1.T + b1)
    return h @ W2.T + b2


def setup_inputs(seed: int = 0) -> dict:
    key = jax.random.key(seed)
    k1, k2, k3, k4, k5, k6, k7 = jax.random.split(key, 7)
    v_gene = jax.random.normal(k1, (N_GENES, LATENT), dtype=jnp.float32)
    pos_edge_index = jax.random.randint(k2, (2, 2000), 0, N_GENES)
    neg_edge_index = jax.random.randint(k3, (2, 200), 0, N_GENES)
    # MLP params: Linear(2*latent -> hidden), Linear(hidden -> 1), torch (out,in) layout
    W1 = jax.random.normal(k4, (HIDDEN, 2 * LATENT), dtype=jnp.float32) * (1.0 / np.sqrt(2 * LATENT))
    b1 = jnp.zeros((HIDDEN,), dtype=jnp.float32)
    W2 = jax.random.normal(k5, (1, HIDDEN), dtype=jnp.float32) * (1.0 / np.sqrt(HIDDEN))
    b2 = jnp.zeros((1,), dtype=jnp.float32)
    return {"v_gene": v_gene, "pos_edge_index": pos_edge_index, "neg_edge_index": neg_edge_index,
            "W1": W1, "b1": b1, "W2": W2, "b2": b2}


def reference(v_gene, pos_edge_index, neg_edge_index, W1, b1, W2, b2):
    # n_pos_total = 2000 <= 2000, so no subsampling of positives.
    src_pos = pos_edge_index[0]
    tgt_pos = pos_edge_index[1]
    pos_feat = jnp.concatenate([jnp.take(v_gene, src_pos, axis=0),
                                jnp.take(v_gene, tgt_pos, axis=0)], axis=-1)
    pos_scores = _mlp(pos_feat, W1, b1, W2, b2)[:, 0]
    pos_labels = jnp.ones_like(pos_scores)
    # neg_edge_index given; n_neg_sample = min(200, int(2000*0.1)) = 200, no subsampling.
    src_neg = neg_edge_index[0]
    tgt_neg = neg_edge_index[1]
    neg_feat = jnp.concatenate([jnp.take(v_gene, src_neg, axis=0),
                                jnp.take(v_gene, tgt_neg, axis=0)], axis=-1)
    neg_scores = _mlp(neg_feat, W1, b1, W2, b2)[:, 0]
    neg_labels = jnp.zeros_like(neg_scores)
    scores = jnp.concatenate([pos_scores, neg_scores], axis=0)
    labels = jnp.concatenate([pos_labels, neg_labels], axis=0)
    # binary_cross_entropy_with_logits, mean reduction (numerically stable form)
    loss = jnp.mean(jnp.maximum(scores, 0.0) - scores * labels + jnp.log1p(jnp.exp(-jnp.abs(scores))))
    return loss

if __name__ == "__main__":
    import jax
    _d = setup_inputs()
    print(jax.jit(kernel)(*tuple(_d.values())))

</pallas_src>

<mosaic_0001>
#map = affine_map<(d0, d1) -> (0, 0)>
#map1 = affine_map<(d0, d1) -> (0)>
#map2 = affine_map<(d0, d1) -> (0, 0, 0, 0)>
module attributes {stable_mosaic.version = 14 : i64} {
  func.func @_sc_gather(%arg0: i32, %arg1: i32, %arg2: memref<100000x128xf32, #tpu.memory_space<hbm>>, %arg3: memref<4400xi32, #tpu.memory_space<hbm>>, %arg4: memref<2x32x72x128xf32, #tpu.memory_space<hbm>>, %arg5: memref<2x72xi32, #tpu.memory_space<vmem>>, %arg6: memref<2x72x128xf32, #tpu.memory_space<vmem>>, %arg7: memref<!tpu.dma_semaphore, #tpu.memory_space<semaphore_mem>>, %arg8: memref<!tpu.dma_semaphore, #tpu.memory_space<semaphore_mem>>) attributes {dimension_semantics = [#tpu.dimension_semantics<core_parallel>, #tpu.dimension_semantics<subcore_parallel>], iteration_bounds = array<i64: 2, 16>, scalar_prefetch = 0 : i64, scratch_operands = 4 : i64, tpu.core_type = #tpu.core_type<sc_vector_subcore>, window_params = [{transform_indices = #map}, {transform_indices = #map1}, {transform_indices = #map2}]} {
    %mul3A = arith.constant 2 : i32
    %mul3A_0 = arith.muli %arg1, %mul3A : i32
    %add3A = arith.addi %mul3A_0, %arg0 : i32
    %mul3A_1 = arith.constant 64 : i32
    %mul3A_2 = arith.muli %add3A, %mul3A_1 : i32
    %min3A = arith.constant 1936 : i32
    %min3A_3 = arith.minsi %mul3A_2, %min3A : i32
    %mul3A_4 = arith.constant 8 : i32
    %mul3A_5 = arith.muli %add3A, %mul3A_4 : i32
    %min3A_6 = arith.constant 192 : i32
    %min3A_7 = arith.minsi %mul3A_5, %min3A_6 : i32
    %add3A_8 = arith.constant 0 : i32
    %add3A_9 = arith.addi %add3A_8, %min3A_3 : i32
    %dma_start3A = arith.constant 0 : i32
    %dma_start3A_10 = arith.constant 0 : i32
    %dma_start3A_11 = tpu.memref_slice %arg5[%dma_start3A, %dma_start3A_10] : memref<2x72xi32, #tpu.memory_space<vmem>> -> memref<1x64xi32, #tpu.memory_space<vmem>>
    %dma_start3A_12 = tpu.memref_squeeze %dma_start3A_11 : memref<1x64xi32, #tpu.memory_space<vmem>> -> memref<64xi32, #tpu.memory_space<vmem>>
    %dma_start3A_13 = tpu.memref_slice %arg3[%add3A_9] : memref<4400xi32, #tpu.memory_space<hbm>> -> memref<64xi32, #tpu.memory_space<hbm>>
    %dma_start3A_14 = arith.constant 0 : i32
    %dma_start3A_15 = tpu.memref_slice %arg5[%dma_start3A, %dma_start3A_14] : memref<2x72xi32, #tpu.memory_space<vmem>> -> memref<1x64xi32, #tpu.memory_space<vmem>>
    %dma_start3A_16 = tpu.memref_squeeze %dma_start3A_15 : memref<1x64xi32, #tpu.memory_space<vmem>> -> memref<64xi32, #tpu.memory_space<vmem>>
    %dma_start3A_17 = tpu.memref_slice %arg3[%add3A_9] : memref<4400xi32, #tpu.memory_space<hbm>> -> memref<64xi32, #tpu.memory_space<hbm>>
    tpu.enqueue_dma source(%dma_start3A_17 : memref<64xi32, #tpu.memory_space<hbm>>) target(%dma_start3A_16 : memref<64xi32, #tpu.memory_space<vmem>>) target_semaphore(%arg7 : memref<!tpu.dma_semaphore, #tpu.memory_space<semaphore_mem>>)
    %add3A_18 = arith.constant 2000 : i32
    %add3A_19 = arith.addi %add3A_18, %min3A_7 : i32
    %dma_start3A_20 = arith.constant 0 : i32
    %dma_start3A_21 = arith.constant 64 : i32
    %dma_start3A_22 = tpu.memref_slice %arg5[%dma_start3A_20, %dma_start3A_21] : memref<2x72xi32, #tpu.memory_space<vmem>> -> memref<1x8xi32, #tpu.memory_space<vmem>>
    %dma_start3A_23 = tpu.memref_squeeze %dma_start3A_22 : memref<1x8xi32, #tpu.memory_space<vmem>> -> memref<8xi32, #tpu.memory_space<vmem>>
    %dma_start3A_24 = tpu.memref_slice %arg3[%add3A_19] : memref<4400xi32, #tpu.memory_space<hbm>> -> memref<8xi32, #tpu.memory_space<hbm>>
    %dma_start3A_25 = arith.constant 64 : i32
    %dma_start3A_26 = tpu.memref_slice %arg5[%dma_start3A_20, %dma_start3A_25] : memref<2x72xi32, #tpu.memory_space<vmem>> -> memref<1x8xi32, #tpu.memory_space<vmem>>
    %dma_start3A_27 = tpu.memref_squeeze %dma_start3A_26 : memref<1x8xi32, #tpu.memory_space<vmem>> -> memref<8xi32, #tpu.memory_space<vmem>>
    %dma_start3A_28 = tpu.memref_slice %arg3[%add3A_19] : memref<4400xi32, #tpu.memory_space<hbm>> -> memref<8xi32, #tpu.memory_space<hbm>>
    tpu.enqueue_dma source(%dma_start3A_28 : memref<8xi32, #tpu.memory_space<hbm>>) target(%dma_start3A_27 : memref<8xi32, #tpu.memory_space<vmem>>) target_semaphore(%arg7 : memref<!tpu.dma_semaphore, #tpu.memory_space<semaphore_mem>>)
    %add3A_29 = arith.constant 2200 : i32
    %add3A_30 = arith.addi %add3A_29, %min3A_3 : i32
    %dma_start3A_31 = arith.constant 1 : i32
    %dma_start3A_32 = arith.constant 0 : i32
    %dma_start3A_33 = tpu.memref_slice %arg5[%dma_start3A_31, %dma_start3A_32] : memref<2x72xi32, #tpu.memory_space<vmem>> -> memref<1x64xi32, #tpu.memory_space<vmem>>
    %dma_start3A_34 = tpu.memref_squeeze %dma_start3A_33 : memref<1x64xi32, #tpu.memory_space<vmem>> -> memref<64xi32, #tpu.memory_space<vmem>>
    %dma_start3A_35 = tpu.memref_slice %arg3[%add3A_30] : memref<4400xi32, #tpu.memory_space<hbm>> -> memref<64xi32, #tpu.memory_space<hbm>>
    %dma_start3A_36 = arith.constant 0 : i32
    %dma_start3A_37 = tpu.memref_slice %arg5[%dma_start3A_31, %dma_start3A_36] : memref<2x72xi32, #tpu.memory_space<vmem>> -> memref<1x64xi32, #tpu.memory_space<vmem>>
    %dma_start3A_38 = tpu.memref_squeeze %dma_start3A_37 : memref<1x64xi32, #tpu.memory_space<vmem>> -> memref<64xi32, #tpu.memory_space<vmem>>
    %dma_start3A_39 = tpu.memref_slice %arg3[%add3A_30] : memref<4400xi32, #tpu.memory_space<hbm>> -> memref<64xi32, #tpu.memory_space<hbm>>
    tpu.enqueue_dma source(%dma_start3A_39 : memref<64xi32, #tpu.memory_space<hbm>>) target(%dma_start3A_38 : memref<64xi32, #tpu.memory_space<vmem>>) target_semaphore(%arg7 : memref<!tpu.dma_semaphore, #tpu.memory_space<semaphore_mem>>)
    %add3A_40 = arith.constant 4200 : i32
    %add3A_41 = arith.addi %add3A_40, %min3A_7 : i32
    %dma_start3A_42 = arith.constant 1 : i32
    %dma_start3A_43 = arith.constant 64 : i32
    %dma_start3A_44 = tpu.memref_slice %arg5[%dma_start3A_42, %dma_start3A_43] : memref<2x72xi32, #tpu.memory_space<vmem>> -> memref<1x8xi32, #tpu.memory_space<vmem>>
    %dma_start3A_45 = tpu.memref_squeeze %dma_start3A_44 : memref<1x8xi32, #tpu.memory_space<vmem>> -> memref<8xi32, #tpu.memory_space<vmem>>
    %dma_start3A_46 = tpu.memref_slice %arg3[%add3A_41] : memref<4400xi32, #tpu.memory_space<hbm>> -> memref<8xi32, #tpu.memory_space<hbm>>
    %dma_start3A_47 = arith.constant 64 : i32
    %dma_start3A_48 = tpu.memref_slice %arg5[%dma_start3A_42, %dma_start3A_47] : memref<2x72xi32, #tpu.memory_space<vmem>> -> memref<1x8xi32, #tpu.memory_space<vmem>>
    %dma_start3A_49 = tpu.memref_squeeze %dma_start3A_48 : memref<1x8xi32, #tpu.memory_space<vmem>> -> memref<8xi32, #tpu.memory_space<vmem>>
    %dma_start3A_50 = tpu.memref_slice %arg3[%add3A_41] : memref<4400xi32, #tpu.memory_space<hbm>> -> memref<8xi32, #tpu.memory_space<hbm>>
    tpu.enqueue_dma source(%dma_start3A_50 : memref<8xi32, #tpu.memory_space<hbm>>) target(%dma_start3A_49 : memref<8xi32, #tpu.memory_space<vmem>>) target_semaphore(%arg7 : memref<!tpu.dma_semaphore, #tpu.memory_space<semaphore_mem>>)
    %dma_wait3A = arith.constant 0 : i32
    %dma_wait3A_51 = arith.constant 0 : i32
    %dma_wait3A_52 = tpu.memref_slice %arg5[%dma_wait3A, %dma_wait3A_51] : memref<2x72xi32, #tpu.memory_space<vmem>> -> memref<1x64xi32, #tpu.memory_space<vmem>>
    %dma_wait3A_53 = tpu.memref_squeeze %dma_wait3A_52 : memref<1x64xi32, #tpu.memory_space<vmem>> -> memref<64xi32, #tpu.memory_space<vmem>>
    %dma_wait3A_54 = tpu.memref_slice %arg3[%add3A_9] : memref<4400xi32, #tpu.memory_space<hbm>> -> memref<64xi32, #tpu.memory_space<hbm>>
    %dma_wait3A_55 = arith.constant 0 : i32
    %dma_wait3A_56 = tpu.memref_slice %arg5[%dma_wait3A, %dma_wait3A_55] : memref<2x72xi32, #tpu.memory_space<vmem>> -> memref<1x64xi32, #tpu.memory_space<vmem>>
    %dma_wait3A_57 = tpu.memref_squeeze %dma_wait3A_56 : memref<1x64xi32, #tpu.memory_space<vmem>> -> memref<64xi32, #tpu.memory_space<vmem>>
    %dma_wait3A_58 = tpu.memref_slice %arg3[%add3A_9] : memref<4400xi32, #tpu.memory_space<hbm>> -> memref<64xi32, #tpu.memory_space<hbm>>
    tpu.wait_dma2 semaphore(%arg7 : memref<!tpu.dma_semaphore, #tpu.memory_space<semaphore_mem>>) src(%dma_wait3A_58 : memref<64xi32, #tpu.memory_space<hbm>>) dst(%dma_wait3A_57 : memref<64xi32, #tpu.memory_space<vmem>>)
    %dma_wait3A_59 = arith.constant 0 : i32
    %dma_wait3A_60 = arith.constant 64 : i32
    %dma_wait3A_61 = tpu.memref_slice %arg5[%dma_wait3A_59, %dma_wait3A_60] : memref<2x72xi32, #tpu.memory_space<vmem>> -> memref<1x8xi32, #tpu.memory_space<vmem>>
    %dma_wait3A_62 = tpu.memref_squeeze %dma_wait3A_61 : memref<1x8xi32, #tpu.memory_space<vmem>> -> memref<8xi32, #tpu.memory_space<vmem>>
    %dma_wait3A_63 = tpu.memref_slice %arg3[%add3A_19] : memref<4400xi32, #tpu.memory_space<hbm>> -> memref<8xi32, #tpu.memory_space<hbm>>
    %dma_wait3A_64 = arith.constant 64 : i32
    %dma_wait3A_65 = tpu.memref_slice %arg5[%dma_wait3A_59, %dma_wait3A_64] : memref<2x72xi32, #tpu.memory_space<vmem>> -> memref<1x8xi32, #tpu.memory_space<vmem>>
    %dma_wait3A_66 = tpu.memref_squeeze %dma_wait3A_65 : memref<1x8xi32, #tpu.memory_space<vmem>> -> memref<8xi32, #tpu.memory_space<vmem>>
    %dma_wait3A_67 = tpu.memref_slice %arg3[%add3A_19] : memref<4400xi32, #tpu.memory_space<hbm>> -> memref<8xi32, #tpu.memory_space<hbm>>
    tpu.wait_dma2 semaphore(%arg7 : memref<!tpu.dma_semaphore, #tpu.memory_space<semaphore_mem>>) src(%dma_wait3A_67 : memref<8xi32, #tpu.memory_space<hbm>>) dst(%dma_wait3A_66 : memref<8xi32, #tpu.memory_space<vmem>>)
    %dma_wait3A_68 = arith.constant 1 : i32
    %dma_wait3A_69 = arith.constant 0 : i32
    %dma_wait3A_70 = tpu.memref_slice %arg5[%dma_wait3A_68, %dma_wait3A_69] : memref<2x72xi32, #tpu.memory_space<vmem>> -> memref<1x64xi32, #tpu.memory_space<vmem>>
    %dma_wait3A_71 = tpu.memref_squeeze %dma_wait3A_70 : memref<1x64xi32, #tpu.memory_space<vmem>> -> memref<64xi32, #tpu.memory_space<vmem>>
    %dma_wait3A_72 = tpu.memref_slice %arg3[%add3A_30] : memref<4400xi32, #tpu.memory_space<hbm>> -> memref<64xi32, #tpu.memory_space<hbm>>
    %dma_wait3A_73 = arith.constant 0 : i32
    %dma_wait3A_74 = tpu.memref_slice %arg5[%dma_wait3A_68, %dma_wait3A_73] : memref<2x72xi32, #tpu.memory_space<vmem>> -> memref<1x64xi32, #tpu.memory_space<vmem>>
    %dma_wait3A_75 = tpu.memref_squeeze %dma_wait3A_74 : memref<1x64xi32, #tpu.memory_space<vmem>> -> memref<64xi32, #tpu.memory_space<vmem>>
    %dma_wait3A_76 = tpu.memref_slice %arg3[%add3A_30] : memref<4400xi32, #tpu.memory_space<hbm>> -> memref<64xi32, #tpu.memory_space<hbm>>
    tpu.wait_dma2 semaphore(%arg7 : memref<!tpu.dma_semaphore, #tpu.memory_space<semaphore_mem>>) src(%dma_wait3A_76 : memref<64xi32, #tpu.memory_space<hbm>>) dst(%dma_wait3A_75 : memref<64xi32, #tpu.memory_space<vmem>>)
    %dma_wait3A_77 = arith.constant 1 : i32
    %dma_wait3A_78 = arith.constant 64 : i32
    %dma_wait3A_79 = tpu.memref_slice %arg5[%dma_wait3A_77, %dma_wait3A_78] : memref<2x72xi32, #tpu.memory_space<vmem>> -> memref<1x8xi32, #tpu.memory_space<vmem>>
    %dma_wait3A_80 = tpu.memref_squeeze %dma_wait3A_79 : memref<1x8xi32, #tpu.memory_space<vmem>> -> memref<8xi32, #tpu.memory_space<vmem>>
    %dma_wait3A_81 = tpu.memref_slice %arg3[%add3A_41] : memref<4400xi32, #tpu.memory_space<hbm>> -> memref<8xi32, #tpu.memory_space<hbm>>
    %dma_wait3A_82 = arith.constant 64 : i32
    %dma_wait3A_83 = tpu.memref_slice %arg5[%dma_wait3A_77, %dma_wait3A_82] : memref<2x72xi32, #tpu.memory_space<vmem>> -> memref<1x8xi32, #tpu.memory_space<vmem>>
    %dma_wait3A_84 = tpu.memref_squeeze %dma_wait3A_83 : memref<1x8xi32, #tpu.memory_space<vmem>> -> memref<8xi32, #tpu.memory_space<vmem>>
    %dma_wait3A_85 = tpu.memref_slice %arg3[%add3A_41] : memref<4400xi32, #tpu.memory_space<hbm>> -> memref<8xi32, #tpu.memory_space<hbm>>
    tpu.wait_dma2 semaphore(%arg7 : memref<!tpu.dma_semaphore, #tpu.memory_space<semaphore_mem>>) src(%dma_wait3A_85 : memref<8xi32, #tpu.memory_space<hbm>>) dst(%dma_wait3A_84 : memref<8xi32, #tpu.memory_space<vmem>>)
    %dma_start3A_86 = arith.constant 0 : i32
    %dma_start3A_87 = arith.constant 0 : i32
    %dma_start3A_88 = arith.constant 0 : i32
    %dma_start3A_89 = arith.constant 0 : i32
    %dma_start3A_90 = tpu.memref_slice %arg6[%dma_start3A_87, %dma_start3A_88, %dma_start3A_89] : memref<2x72x128xf32, #tpu.memory_space<vmem>> -> memref<1x72x128xf32, #tpu.memory_space<vmem>>
    %dma_start3A_91 = tpu.memref_squeeze %dma_start3A_90 : memref<1x72x128xf32, #tpu.memory_space<vmem>> -> memref<72x128xf32, #tpu.memory_space<vmem>>
    %dma_start3A_92 = arith.constant 0 : i32
    %dma_start3A_93 = tpu.memref_slice %arg5[%dma_start3A_86, %dma_start3A_92] : memref<2x72xi32, #tpu.memory_space<vmem>> -> memref<1x72xi32, #tpu.memory_space<vmem>>
    %dma_start3A_94 = tpu.memref_squeeze %dma_start3A_93 : memref<1x72xi32, #tpu.memory_space<vmem>> -> memref<72xi32, #tpu.memory_space<vmem>>
    %dma_start3A_95 = arith.constant 0 : i32
    %dma_start3A_96 = arith.constant 0 : i32
    %dma_start3A_97 = tpu.memref_slice %arg2[%dma_start3A_95, %dma_start3A_96] : memref<100000x128xf32, #tpu.memory_space<hbm>> -> memref<100000x128xf32, #tpu.memory_space<hbm>>
    tpu.enqueue_indirect_dma source(%dma_start3A_97 : memref<100000x128xf32, #tpu.memory_space<hbm>>) target(%dma_start3A_91 : memref<72x128xf32, #tpu.memory_space<vmem>>) offsets(%dma_start3A_94 : memref<72xi32, #tpu.memory_space<vmem>>) semaphore(%arg8 : memref<!tpu.dma_semaphore, #tpu.memory_space<semaphore_mem>>)
    %dma_start3A_98 = arith.constant 1 : i32
    %dma_start3A_99 = arith.constant 1 : i32
    %dma_start3A_100 = arith.constant 0 : i32
    %dma_start3A_101 = arith.constant 0 : i32
    %dma_start3A_102 = tpu.memref_slice %arg6[%dma_start3A_99, %dma_start3A_100, %dma_start3A_101] : memref<2x72x128xf32, #tpu.memory_space<vmem>> -> memref<1x72x128xf32, #tpu.memory_space<vmem>>
    %dma_start3A_103 = tpu.memref_squeeze %dma_start3A_102 : memref<1x72x128xf32, #tpu.memory_space<vmem>> -> memref<72x128xf32, #tpu.memory_space<vmem>>
    %dma_start3A_104 = arith.constant 0 : i32
    %dma_start3A_105 = tpu.memref_slice %arg5[%dma_start3A_98, %dma_start3A_104] : memref<2x72xi32, #tpu.memory_space<vmem>> -> memref<1x72xi32, #tpu.memory_space<vmem>>
    %dma_start3A_106 = tpu.memref_squeeze %dma_start3A_105 : memref<1x72xi32, #tpu.memory_space<vmem>> -> memref<72xi32, #tpu.memory_space<vmem>>
    %dma_start3A_107 = arith.constant 0 : i32
    %dma_start3A_108 = arith.constant 0 : i32
    %dma_start3A_109 = tpu.memref_slice %arg2[%dma_start3A_107, %dma_start3A_108] : memref<100000x128xf32, #tpu.memory_space<hbm>> -> memref<100000x128xf32, #tpu.memory_space<hbm>>
    tpu.enqueue_indirect_dma source(%dma_start3A_109 : memref<100000x128xf32, #tpu.memory_space<hbm>>) target(%dma_start3A_103 : memref<72x128xf32, #tpu.memory_space<vmem>>) offsets(%dma_start3A_106 : memref<72xi32, #tpu.memory_space<vmem>>) semaphore(%arg8 : memref<!tpu.dma_semaphore, #tpu.memory_space<semaphore_mem>>)
    %dma_wait3A_110 = arith.constant 0 : i32
    %dma_wait3A_111 = arith.constant 0 : i32
    %dma_wait3A_112 = arith.constant 0 : i32
    %dma_wait3A_113 = arith.constant 0 : i32
    %dma_wait3A_114 = tpu.memref_slice %arg6[%dma_wait3A_111, %dma_wait3A_112, %dma_wait3A_113] : memref<2x72x128xf32, #tpu.memory_space<vmem>> -> memref<1x72x128xf32, #tpu.memory_space<vmem>>
    %dma_wait3A_115 = tpu.memref_squeeze %dma_wait3A_114 : memref<1x72x128xf32, #tpu.memory_space<vmem>> -> memref<72x128xf32, #tpu.memory_space<vmem>>
    %dma_wait3A_116 = arith.constant 0 : i32
    %dma_wait3A_117 = tpu.memref_slice %arg5[%dma_wait3A_110, %dma_wait3A_116] : memref<2x72xi32, #tpu.memory_space<vmem>> -> memref<1x72xi32, #tpu.memory_space<vmem>>
    %dma_wait3A_118 = tpu.memref_squeeze %dma_wait3A_117 : memref<1x72xi32, #tpu.memory_space<vmem>> -> memref<72xi32, #tpu.memory_space<vmem>>
    %dma_wait3A_119 = arith.constant 0 : i32
    %dma_wait3A_120 = arith.constant 0 : i32
    %dma_wait3A_121 = tpu.memref_slice %arg2[%dma_wait3A_119, %dma_wait3A_120] : memref<100000x128xf32, #tpu.memory_space<hbm>> -> memref<100000x128xf32, #tpu.memory_space<hbm>>
    tpu.wait_indirect_dma semaphore(%arg8 : memref<!tpu.dma_semaphore, #tpu.memory_space<semaphore_mem>>) src(%dma_wait3A_121 : memref<100000x128xf32, #tpu.memory_space<hbm>>) dst(%dma_wait3A_115 : memref<72x128xf32, #tpu.memory_space<vmem>>)
    %dma_wait3A_122 = arith.constant 1 : i32
    %dma_wait3A_123 = arith.constant 1 : i32
    %dma_wait3A_124 = arith.constant 0 : i32
    %dma_wait3A_125 = arith.constant 0 : i32
    %dma_wait3A_126 = tpu.memref_slice %arg6[%dma_wait3A_123, %dma_wait3A_124, %dma_wait3A_125] : memref<2x72x128xf32, #tpu.memory_space<vmem>> -> memref<1x72x128xf32, #tpu.memory_space<vmem>>
    %dma_wait3A_127 = tpu.memref_squeeze %dma_wait3A_126 : memref<1x72x128xf32, #tpu.memory_space<vmem>> -> memref<72x128xf32, #tpu.memory_space<vmem>>
    %dma_wait3A_128 = arith.constant 0 : i32
    %dma_wait3A_129 = tpu.memref_slice %arg5[%dma_wait3A_122, %dma_wait3A_128] : memref<2x72xi32, #tpu.memory_space<vmem>> -> memref<1x72xi32, #tpu.memory_space<vmem>>
    %dma_wait3A_130 = tpu.memref_squeeze %dma_wait3A_129 : memref<1x72xi32, #tpu.memory_space<vmem>> -> memref<72xi32, #tpu.memory_space<vmem>>
    %dma_wait3A_131 = arith.constant 0 : i32
    %dma_wait3A_132 = arith.constant 0 : i32
    %dma_wait3A_133 = tpu.memref_slice %arg2[%dma_wait3A_131, %dma_wait3A_132] : memref<100000x128xf32, #tpu.memory_space<hbm>> -> memref<100000x128xf32, #tpu.memory_space<hbm>>
    tpu.wait_indirect_dma semaphore(%arg8 : memref<!tpu.dma_semaphore, #tpu.memory_space<semaphore_mem>>) src(%dma_wait3A_133 : memref<100000x128xf32, #tpu.memory_space<hbm>>) dst(%dma_wait3A_127 : memref<72x128xf32, #tpu.memory_space<vmem>>)
    "tpu.region"() ({
      %run_scoped3A = tpu.sem_alloc : memref<!tpu.dma_semaphore, #tpu.memory_space<semaphore_mem>>
      %dma_start3A_134 = arith.constant 0 : i32
      %dma_start3A_135 = arith.constant 0 : i32
      %dma_start3A_136 = arith.constant 0 : i32
      %dma_start3A_137 = tpu.memref_slice %arg4[%dma_start3A_134, %add3A, %dma_start3A_135, %dma_start3A_136] : memref<2x32x72x128xf32, #tpu.memory_space<hbm>> -> memref<2x1x72x128xf32, #tpu.memory_space<hbm>>
      %dma_start3A_138 = tpu.memref_squeeze %dma_start3A_137 : memref<2x1x72x128xf32, #tpu.memory_space<hbm>> -> memref<2x72x128xf32, #tpu.memory_space<hbm>>
      %dma_start3A_139 = arith.constant 0 : i32
      %dma_start3A_140 = arith.constant 0 : i32
      %dma_start3A_141 = arith.constant 0 : i32
      %dma_start3A_142 = tpu.memref_slice %arg4[%dma_start3A_139, %add3A, %dma_start3A_140, %dma_start3A_141] : memref<2x32x72x128xf32, #tpu.memory_space<hbm>> -> memref<2x1x72x128xf32, #tpu.memory_space<hbm>>
      %dma_start3A_143 = tpu.memref_squeeze %dma_start3A_142 : memref<2x1x72x128xf32, #tpu.memory_space<hbm>> -> memref<2x72x128xf32, #tpu.memory_space<hbm>>
      tpu.enqueue_dma source(%arg6 : memref<2x72x128xf32, #tpu.memory_space<vmem>>) target(%dma_start3A_143 : memref<2x72x128xf32, #tpu.memory_space<hbm>>) target_semaphore(%run_scoped3A : memref<!tpu.dma_semaphore, #tpu.memory_space<semaphore_mem>>)
      %dma_wait3A_144 = arith.constant 0 : i32
      %dma_wait3A_145 = arith.constant 0 : i32
      %dma_wait3A_146 = arith.constant 0 : i32
      %dma_wait3A_147 = tpu.memref_slice %arg4[%dma_wait3A_144, %add3A, %dma_wait3A_145, %dma_wait3A_146] : memref<2x32x72x128xf32, #tpu.memory_space<hbm>> -> memref<2x1x72x128xf32, #tpu.memory_space<hbm>>
      %dma_wait3A_148 = tpu.memref_squeeze %dma_wait3A_147 : memref<2x1x72x128xf32, #tpu.memory_space<hbm>> -> memref<2x72x128xf32, #tpu.memory_space<hbm>>
      %dma_wait3A_149 = arith.constant 0 : i32
      %dma_wait3A_150 = arith.constant 0 : i32
      %dma_wait3A_151 = arith.constant 0 : i32
      %dma_wait3A_152 = tpu.memref_slice %arg4[%dma_wait3A_149, %add3A, %dma_wait3A_150, %dma_wait3A_151] : memref<2x32x72x128xf32, #tpu.memory_space<hbm>> -> memref<2x1x72x128xf32, #tpu.memory_space<hbm>>
      %dma_wait3A_153 = tpu.memref_squeeze %dma_wait3A_152 : memref<2x1x72x128xf32, #tpu.memory_space<hbm>> -> memref<2x72x128xf32, #tpu.memory_space<hbm>>
      tpu.wait_dma2 semaphore(%run_scoped3A : memref<!tpu.dma_semaphore, #tpu.memory_space<semaphore_mem>>) src(%arg6 : memref<2x72x128xf32, #tpu.memory_space<vmem>>) dst(%dma_wait3A_153 : memref<2x72x128xf32, #tpu.memory_space<hbm>>)
      tpu.yield
    }) : () -> ()
    return
  }
}

module attributes {stable_mosaic.version = 14 : i64} {
  func.func @_tc_mlp_loss(%arg0: memref<2x2304x128xf32, #tpu.memory_space<vmem>>, %arg1: memref<128x256xf32, #tpu.memory_space<vmem>>, %arg2: memref<1x128xf32, #tpu.memory_space<vmem>>, %arg3: memref<1x128xf32, #tpu.memory_space<vmem>>, %arg4: memref<1x1xf32, #tpu.memory_space<smem>>, %arg5: memref<1x1xf32, #tpu.memory_space<smem>>) attributes {dimension_semantics = [], scalar_prefetch = 0 : i64, scratch_operands = 0 : i64, tpu.core_type = #tpu.core_type<tc>} {
    %get3A = arith.constant 0 : index
    %get3A_0 = arith.constant 0 : index
    %get3A_1 = arith.constant 0 : index
    %get3A_2 = vector.load %arg0[%get3A, %get3A_0, %get3A_1] : memref<2x2304x128xf32, #tpu.memory_space<vmem>>, vector<1x2304x128xf32>
    %get3A_3 = vector.shape_cast %get3A_2 : vector<1x2304x128xf32> to vector<2304x128xf32>
    %get3A_4 = arith.constant 1 : index
    %get3A_5 = arith.constant 0 : index
    %get3A_6 = arith.constant 0 : index
    %get3A_7 = vector.load %arg0[%get3A_4, %get3A_5, %get3A_6] : memref<2x2304x128xf32, #tpu.memory_space<vmem>>, vector<1x2304x128xf32>
    %get3A_8 = vector.shape_cast %get3A_7 : vector<1x2304x128xf32> to vector<2304x128xf32>
    %get3A_9 = arith.constant 0 : index
    %get3A_10 = arith.constant 0 : index
    %get3A_11 = vector.load %arg1[%get3A_9, %get3A_10] : memref<128x256xf32, #tpu.memory_space<vmem>>, vector<128x256xf32>
    %slice3A = vector.extract_strided_slice %get3A_11 {offsets = [0, 0], sizes = [128, 128], strides = [1, 1]} : vector<128x256xf32> to vector<128x128xf32>
    %dot_general3A = arith.constant dense<0.000000e+00> : vector<2304x128xf32>
    %dot_general3A_12 = tpu.matmul %get3A_3, %slice3A, %dot_general3A {dimension_numbers = #tpu.dot_dimension_numbers<[1], [1], [0], [0], [0, 0, 1, 0], [], []>, transpose_lhs_hint = false} : vector<2304x128xf32>, vector<128x128xf32>, vector<2304x128xf32> -> vector<2304x128xf32>
    %slice3A_13 = vector.extract_strided_slice %get3A_11 {offsets = [0, 128], sizes = [128, 128], strides = [1, 1]} : vector<128x256xf32> to vector<128x128xf32>
    %dot_general3A_14 = arith.constant dense<0.000000e+00> : vector<2304x128xf32>
    %dot_general3A_15 = tpu.matmul %get3A_8, %slice3A_13, %dot_general3A_14 {dimension_numbers = #tpu.dot_dimension_numbers<[1], [1], [0], [0], [0, 0, 1, 0], [], []>, transpose_lhs_hint = false} : vector<2304x128xf32>, vector<128x128xf32>, vector<2304x128xf32> -> vector<2304x128xf32>
    %add3A = arith.addf %dot_general3A_12, %dot_general3A_15 : vector<2304x128xf32>
    %get3A_16 = arith.constant 0 : index
    %get3A_17 = arith.constant 0 : index
    %get3A_18 = vector.load %arg2[%get3A_16, %get3A_17] : memref<1x128xf32, #tpu.memory_space<vmem>>, vector<1x128xf32>
    %add3A_19 = vector.broadcast %get3A_18 : vector<1x128xf32> to vector<2304x128xf32>
    %add3A_20 = arith.addf %add3A, %add3A_19 : vector<2304x128xf32>
    %max3A = arith.constant 0.000000e+00 : f32
    %max3A_21 = vector.broadcast %max3A : f32 to vector<2304x128xf32>
    %max3A_22 = arith.maximumf %add3A_20, %max3A_21 : vector<2304x128xf32>
    %get3A_23 = arith.constant 0 : index
    %get3A_24 = arith.constant 0 : index
    %get3A_25 = vector.load %arg3[%get3A_23, %get3A_24] : memref<1x128xf32, #tpu.memory_space<vmem>>, vector<1x128xf32>
    %dot_general3A_26 = arith.constant dense<0.000000e+00> : vector<1x2304xf32>
    %dot_general3A_27 = tpu.matmul %get3A_25, %max3A_22, %dot_general3A_26 {dimension_numbers = #tpu.dot_dimension_numbers<[1], [1], [0], [0], [0, 0, 1, 0], [], []>, transpose_lhs_hint = false} : vector<1x128xf32>, vector<2304x128xf32>, vector<1x2304xf32> -> vector<1x2304xf32>
    %get3A_28 = arith.constant 0 : index
    %get3A_29 = arith.constant 0 : index
    %get3A_30 = memref.load %arg4[%get3A_28, %get3A_29] : memref<1x1xf32, #tpu.memory_space<smem>>
    %add3A_31 = vector.broadcast %get3A_30 : f32 to vector<1x2304xf32>
    %add3A_32 = arith.addf %dot_general3A_27, %add3A_31 : vector<1x2304xf32>
    %iota3A = tpu.iota {dimensions = array<i32: 1>} : vector<1x2304xi32>
    %jit3A = arith.constant 72 : i32
    %div3A = vector.broadcast %jit3A : i32 to vector<1x2304xi32>
    %div3A_33 = arith.divsi %iota3A, %div3A : vector<1x2304xi32>
    %sign3A = arith.constant 0 : i32
    %sign3A_34 = vector.broadcast %sign3A : i32 to vector<1x2304xi32>
    %sign3A_35 = arith.cmpi sgt, %iota3A, %sign3A_34 : vector<1x2304xi32>
    %sign3A_36 = arith.extui %sign3A_35 : vector<1x2304xi1> to vector<1x2304xi32>
    %sign3A_37 = arith.constant 0 : i32
    %sign3A_38 = vector.broadcast %sign3A_37 : i32 to vector<1x2304xi32>
    %sign3A_39 = arith.cmpi slt, %iota3A, %sign3A_38 : vector<1x2304xi32>
    %sign3A_40 = arith.extui %sign3A_39 : vector<1x2304xi1> to vector<1x2304xi32>
    %sign3A_41 = arith.subi %sign3A_36, %sign3A_40 : vector<1x2304xi32>
    %sign3A_42 = arith.constant 0 : i32
    %sign3A_43 = arith.cmpi sgt, %jit3A, %sign3A_42 : i32
    %sign3A_44 = arith.extui %sign3A_43 : i1 to i32
    %sign3A_45 = arith.constant 0 : i32
    %sign3A_46 = arith.cmpi slt, %jit3A, %sign3A_45 : i32
    %sign3A_47 = arith.extui %sign3A_46 : i1 to i32
    %sign3A_48 = arith.subi %sign3A_44, %sign3A_47 : i32
    %ne3A = vector.broadcast %sign3A_48 : i32 to vector<1x2304xi32>
    %ne3A_49 = arith.cmpi ne, %sign3A_41, %ne3A : vector<1x2304xi32>
    %rem3A = vector.broadcast %jit3A : i32 to vector<1x2304xi32>
    %rem3A_50 = arith.remsi %iota3A, %rem3A : vector<1x2304xi32>
    %ne3A_51 = arith.constant 0 : i32
    %ne3A_52 = vector.broadcast %ne3A_51 : i32 to vector<1x2304xi32>
    %ne3A_53 = arith.cmpi ne, %rem3A_50, %ne3A_52 : vector<1x2304xi32>
    %and3A = arith.andi %ne3A_49, %ne3A_53 : vector<1x2304xi1>
    %sub3A = arith.constant 1 : i32
    %sub3A_54 = vector.broadcast %sub3A : i32 to vector<1x2304xi32>
    %sub3A_55 = arith.subi %div3A_33, %sub3A_54 : vector<1x2304xi32>
    %select_n3A = arith.select %and3A, %sub3A_55, %div3A_33 : vector<1x2304xi1>, vector<1x2304xi32>
    %mul3A = arith.constant 72 : i32
    %mul3A_56 = vector.broadcast %mul3A : i32 to vector<1x2304xi32>
    %mul3A_57 = arith.muli %select_n3A, %mul3A_56 : vector<1x2304xi32>
    %sub3A_58 = arith.subi %iota3A, %mul3A_57 : vector<1x2304xi32>
    %lt3A = arith.constant 64 : i32
    %lt3A_59 = vector.broadcast %lt3A : i32 to vector<1x2304xi32>
    %lt3A_60 = arith.cmpi slt, %sub3A_58, %lt3A_59 : vector<1x2304xi32>
    %lt3A_61 = arith.constant 31 : i32
    %lt3A_62 = vector.broadcast %lt3A_61 : i32 to vector<1x2304xi32>
    %lt3A_63 = arith.cmpi slt, %select_n3A, %lt3A_62 : vector<1x2304xi32>
    %ge3A = arith.constant 48 : i32
    %ge3A_64 = vector.broadcast %ge3A : i32 to vector<1x2304xi32>
    %ge3A_65 = arith.cmpi sge, %sub3A_58, %ge3A_64 : vector<1x2304xi32>
    %or3A = arith.ori %lt3A_63, %ge3A_65 : vector<1x2304xi1>
    %and3A_66 = arith.andi %lt3A_60, %or3A : vector<1x2304xi1>
    %not3A = arith.constant dense<true> : vector<1x2304xi1>
    %not3A_67 = arith.xori %lt3A_60, %not3A : vector<1x2304xi1>
    %lt3A_68 = arith.constant 25 : i32
    %lt3A_69 = vector.broadcast %lt3A_68 : i32 to vector<1x2304xi32>
    %lt3A_70 = arith.cmpi slt, %select_n3A, %lt3A_69 : vector<1x2304xi32>
    %and3A_71 = arith.andi %not3A_67, %lt3A_70 : vector<1x2304xi1>
    %or3A_72 = arith.ori %and3A_66, %and3A_71 : vector<1x2304xi1>
    %convert_element_type3A = arith.extui %lt3A_60 : vector<1x2304xi1> to vector<1x2304xi32>
    %convert_element_type3A_73 = arith.sitofp %convert_element_type3A : vector<1x2304xi32> to vector<1x2304xf32>
    %max3A_74 = arith.constant 0.000000e+00 : f32
    %max3A_75 = vector.broadcast %max3A_74 : f32 to vector<1x2304xf32>
    %max3A_76 = arith.maximumf %add3A_32, %max3A_75 : vector<1x2304xf32>
    %mul3A_77 = arith.mulf %add3A_32, %convert_element_type3A_73 : vector<1x2304xf32>
    %sub3A_78 = arith.subf %max3A_76, %mul3A_77 : vector<1x2304xf32>
    %abs3A = math.absf %add3A_32 : vector<1x2304xf32>
    %neg3A = arith.constant 0.000000e+00 : f32
    %neg3A_79 = vector.broadcast %neg3A : f32 to vector<1x2304xf32>
    %neg3A_80 = arith.subf %neg3A_79, %abs3A : vector<1x2304xf32>
    %exp3A = math.exp %neg3A_80 : vector<1x2304xf32>
    %log1p3A = math.log1p %exp3A : vector<1x2304xf32>
    %add3A_81 = arith.addf %sub3A_78, %log1p3A : vector<1x2304xf32>
    %jit3A_82 = arith.constant 0.000000e+00 : f32
    %broadcast_in_dim3A = vector.broadcast %jit3A_82 : f32 to vector<1x2304xf32>
    %select_n3A_83 = arith.select %or3A_72, %add3A_81, %broadcast_in_dim3A : vector<1x2304xi1>, vector<1x2304xf32>
    %reduce_sum3A = vector.shape_cast %select_n3A_83 : vector<1x2304xf32> to vector<1x1x2304xf32>
    %reduce_sum3A_84 = arith.constant dense<0.000000e+00> : vector<1xf32>
    %reduce_sum3A_85 = vector.multi_reduction <add>, %reduce_sum3A, %reduce_sum3A_84 [1, 2] : vector<1x1x2304xf32> to vector<1xf32>
    %reduce_sum3A_86 = vector.shape_cast %reduce_sum3A_85 : vector<1xf32> to vector<1x1x1xf32>
    %reduce_sum3A_87 = vector.extract %reduce_sum3A_86[0, 0, 0] : f32 from vector<1x1x1xf32>
    %mul3A_88 = arith.constant 4.54545458E-4 : f32
    %mul3A_89 = arith.mulf %reduce_sum3A_87, %mul3A_88 : f32
    %swap3A = arith.constant 0 : index
    %swap3A_90 = arith.constant 0 : index
    %swap3A_91 = memref.load %arg5[%swap3A, %swap3A_90] : memref<1x1xf32, #tpu.memory_space<smem>>
    memref.store %mul3A_89, %arg5[%swap3A, %swap3A_90] : memref<1x1xf32, #tpu.memory_space<smem>>
    return
  }
}

</mosaic_0001>

<sc_bundles>
// kernel: kernel.4.cloned.1.call-start
scs
__scs_entry_jumppad:
0x0: {  	(pc) =	sbr.rel $0x88, $3  }
0x1: {  	(tag) =	ssettag $0x0;
	lr =	simm.s32 $0x1  }
0x2: {  	[smem:$0x3F9A] =	sst lr;
	_ =	strace $0xD0000000  }
0x3: {  	_ = 	snop  }
0x4: {  	_ = 	snop  }
0x5: {  	_ = 	snop  }
0x6: {  	_ = 	snop  }
0x7: {  	_ = 	snop  }
__scs_overlays_trampoline_lowered:
0x8: {  	[smem:$0x3FA9] =	sst s0  }
0x9: {  	[smem:$0x3FAA] =	sst s1  }
0xa: {  	[smem:$0x3FAB] =	sst s2  }
0xb: {  	[smem:$0x3FAC] =	sst s3  }
0xc: {  	[smem:$0x3FAD] =	sst s4  }
0xd: {  	[smem:$0x3FAE] =	sst s5  }
0xe: {  	[smem:$0x3FAF] =	sst s6  }
0xf: {  	[smem:$0x3FB0] =	sst s7  }
0x10: {  	[smem:$0x3FB1] =	sst s8  }
0x11: {  	[smem:$0x3FB2] =	sst s9;
	s0 =	simm.s32 @!p0 $0x0  }
0x12: {  	s1 =	sld [smem:$0x3F98];
	s0 =	simm.s32 @p0 $0x1  }
0x13: {  	[smem:$0x3FB3] =	sst s0;
	s0 =	simm.s32 @!p1 $0x0  }
0x14: {  	s2 =	sld [smem:$0x3F97];
	s0 =	simm.s32 @p1 $0x1  }
0x15: {  	[smem:$0x3FB4] =	sst s0;
	s0 =	simm.s32 @!p2 $0x0  }
0x16: {  	s3 =	sld [smem:$0x3FDB];
	s0 =	simm.s32 @p2 $0x1  }
0x17: {  	s4 =	simm.s32 $0x1BF5;
	[smem:$0x3FB6] =	sst s0  }
0x18: {  	s0 =	sld [smem:$0x3F99];
	_ =	swait.ge [sflag:s4], $0x0  }
0x19: {  	s7 =	sld [smem:$0x3F9A]  }
0x1a: {  	s8 =	sadd.s32 $0xFFFFE003, lr  }
0x1b: {  	s9 =	sadd.s32 $0xFFFFFEF7, lr;
	s5 =	simm.s32 $0xFFFFFFFF;
	p2 =	slt.u32 s8, $0xFFFFF086  }
0x1c: {  	p1 =	slt.u32 s9, $0xF7A;
	s5 =	simm.s32 @!p2 $0x0  }
0x1d: {  	s5 =	simm.s32 @p1 $0x1;
	p0 =	seq.s32 s7, s2  }
0x1e: {  	s7 =	smul.u32 @!p0 $0xF7A, s2;
	p2 =	seq.s32 @!p0 s5, $0x0  }
0x1f: {  	s9 =	smul.u32 $0xF7A, s1;
	s8 =	simm.s32 @!p0 $0x1BF5;
	p2 =	por !p2, p0  }
0x20: {  	[sflag:s8] =	ssyncset.s32 @!p0 $0xFFFFF086;
	s6 =	sadd.s32 @!p0 s3, s7;
	s7 =	simm.s32 @!p0 $0x108  }
0x21: {  	s3 =	sadd.s32 s3, s9;
	s6 =	sadd.s32 @!p0 $0x88, s6;
	s7 =	simm.s32 @p2 $0x1082  }
0x22: {  	[simem:s7], [sflag:s8] =	dma.local @!p0 [hbm:s6], $0xF7A  }
0x23: {  	s9 =	sor.u32 $0xD0000000, s2;
	s6 =	simm.s32 $0x108;
	_ =	swait.ge @!p0 [sflag:s8], $0x0  }
0x24: {  	s3 =	sadd.s32 $0x88, s3;
	s6 =	simm.s32 @!p1 $0x1082;
	[sflag:s4] =	ssyncset.s32 $0xFFFFF086  }
0x25: {  	[simem:s6], [sflag:s4] =	dma.local [hbm:s3], $0xF7A  }
0x26: {  	[smem:$0x3F9A] =	sst s1;
	(tag) =	ssettag s2;
	_ =	strace s9  }
0x27: {  	s1 =	sld [smem:$0x3FAA]  }
0x28: {  	s2 =	sld [smem:$0x3FAB]  }
0x29: {  	s4 =	sld [smem:$0x3FAD]  }
0x2a: {  	p0 =	seq.s32 s5, $0x0;
	s5 =	sld [smem:$0x3FAE]  }
0x2b: {  	s6 =	sld [smem:$0x3FAF]  }
0x2c: {  	s7 =	sld [smem:$0x3FB0]  }
0x2d: {  	s3 =	simm.s32 $0x108;
	s8 =	sld [smem:$0x3FB1]  }
0x2e: {  	s3 =	simm.s32 @!p0 $0x1082;
	s9 =	sld [smem:$0x3FB2]  }
0x2f: {  	lr =	sadd.s32 s0, s3;
	s0 =	sld [smem:$0x3FA9]  }
0x30: {  	s3 =	sld [smem:$0x3FAC]  }
0x31: {  	[smem:$0x3FB5] =	sst s10  }
0x32: {  	s10 =	sld [smem:$0x3FB3];
	_ =	sdelay $0x3  }
0x33: {  	p0 =	seq.s32 s10, $0x1;
	s10 =	sld [smem:$0x3FB5];
	_ =	sdelay $0x3  }
0x34: {  	[smem:$0x3FB5] =	sst s10  }
0x35: {  	s10 =	sld [smem:$0x3FB4];
	_ =	sdelay $0x3  }
0x36: {  	p1 =	seq.s32 s10, $0x1;
	s10 =	sld [smem:$0x3FB5];
	_ =	sdelay $0x3  }
0x37: {  	[smem:$0x3FB5] =	sst s10  }
0x38: {  	s10 =	sld [smem:$0x3FB6]  }
0x39: {  	_ = 	snop;
	(pc) =	sbr.ind lr, $3  }
0x3a: {  	_ = 	snop  }
0x3b: {  	_ = 	snop  }
0x3c: {  	p2 =	seq.s32 s10, $0x1;
	s10 =	sld [smem:$0x3FB5]  }
0x3d: {  	_ =	shalt  }
0x3e: {  	_ =	shalt  }
0x3f: {  	_ =	shalt  }
0x40: {  	_ =	shalt  }
0x41: {  	_ =	shalt  }
0x42: {  	_ =	shalt  }
0x43: {  	_ =	shalt  }
0x44: {  	_ =	shalt  }
0x45: {  	_ =	shalt  }
0x46: {  	_ =	shalt  }
0x47: {  	_ =	shalt  }
0x48: {  	_ =	shalt  }
0x49: {  	_ =	shalt  }
0x4a: {  	_ =	shalt  }
0x4b: {  	_ =	shalt  }
0x4c: {  	_ =	shalt  }
0x4d: {  	_ =	shalt  }
0x4e: {  	_ =	shalt  }
0x4f: {  	_ =	shalt  }
0x50: {  	_ =	shalt  }
0x51: {  	_ =	shalt  }
0x52: {  	_ =	shalt  }
0x53: {  	_ =	shalt  }
0x54: {  	_ =	shalt  }
0x55: {  	_ =	shalt  }
0x56: {  	_ =	shalt  }
0x57: {  	_ =	shalt  }
0x58: {  	_ =	shalt  }
0x59: {  	_ =	shalt  }
0x5a: {  	_ =	shalt  }
0x5b: {  	_ =	shalt  }
0x5c: {  	_ =	shalt  }
0x5d: {  	_ =	shalt  }
0x5e: {  	_ =	shalt  }
0x5f: {  	_ =	shalt  }
0x60: {  	_ =	shalt  }
0x61: {  	_ =	shalt  }
0x62: {  	_ =	shalt  }
0x63: {  	_ =	shalt  }
0x64: {  	_ =	shalt  }
0x65: {  	_ =	shalt  }
0x66: {  	_ =	shalt  }
0x67: {  	_ =	shalt  }
0x68: {  	_ =	shalt  }
0x69: {  	_ =	shalt  }
0x6a: {  	_ =	shalt  }
0x6b: {  	_ =	shalt  }
0x6c: {  	_ =	shalt  }
0x6d: {  	_ =	shalt  }
0x6e: {  	_ =	shalt  }
0x6f: {  	_ =	shalt  }
0x70: {  	_ =	shalt  }
0x71: {  	_ =	shalt  }
0x72: {  	_ =	shalt  }
0x73: {  	_ =	shalt  }
0x74: {  	_ =	shalt  }
0x75: {  	_ =	shalt  }
0x76: {  	_ =	shalt  }
0x77: {  	_ =	shalt  }
0x78: {  	_ =	shalt  }
0x79: {  	_ =	shalt  }
0x7a: {  	_ =	shalt  }
0x7b: {  	_ =	shalt  }
0x7c: {  	_ =	shalt  }
0x7d: {  	_ =	shalt  }
0x7e: {  	_ =	shalt  }
0x7f: {  	_ =	shalt  }
0x80: {  	_ =	shalt  }
0x81: {  	_ =	shalt  }
0x82: {  	_ =	shalt  }
0x83: {  	_ =	shalt  }
0x84: {  	_ =	shalt  }
0x85: {  	_ =	shalt  }
0x86: {  	_ =	shalt  }
0x87: {  	_ =	shalt  }
.Lfunc_end0:
.L_simem_size_0:
called_computation_lowered:
.L_overlay_start_0:
0x88: {  	s2 =	sld [smem:$0x3FD9]  }
0x89: {  	s3 =	sld [smem:$0x3FFE];
	_ =	sdelay $0x1  }
0x8a: {  	s1 =	srdreg.scid  }
0x8b: {  	s0 =	sand.u32 $0x1, s1  }
0x8c: {  	s17 =	sshll.u32 s0, $0xA;
	s2 =	sadd.s32 s3, s2  }
0x8d: {  	s2 =	sadd.s32 s2, s17  }
0x8e: {  	[smem:$0x3FC1] =	sst s2  }
0x8f: {  	_ = 	snop  }
0x90: {  	s2 =	sld [smem:$0x3FC9];
	(tm) =	ssettm $0x1  }
0x91: {  	s18 =	sld [smem:$0x3FFB];
	_ =	sdelay $0x3  }
0x92: {  	_ =	strace s18  }
0x93: {  	s3 =	sld [smem:$0x3FFC];
	_ =	sdelay $0x3  }
0x94: {  	_ =	strace s3  }
0x95: {  	s3 =	sld [smem:$0x3FFD];
	_ =	sdelay $0x3  }
0x96: {  	_ =	strace s3  }
0x97: {  	_ =	strace $0x8FFFFFFF  }
0x98: {  	s19 =	sld [smem:$0x3FDB];
	_ =	sdelay $0x1  }
0x99: {  	s4 =	simm.s32 $_scs_section_size  }
0x9a: {  	s5 =	simm.s32 $_size__tile_overlayer_lowered;
	s6 =	simm.s32 $_tile_overlayer_lowered  }
0x9b: {  	s22 =	simm.s32 $0x1BFF;
	s21 =	sshll.u32 s6, $0x1;
	s3 =	sadd.s32 s4, s19  }
0x9c: {  	s7 =	simm.s32 $0x0;
	s20 =	sshll.u32 s5, $0x1;
	s5 =	sadd.s32 s21, s3  }
0x9d: {  	[timem:s7], [sflag:s22] =	dma.local [hbm:s5], s20  }
0x9e: {  	_ =	swait.ge [sflag:s22], s20  }
0x9f: {  	s4 =	ssub.s32 $0x0, s20;
	[sflag:s22] =	ssyncset.done $0x0  }
0xa0: {  	[sflag:s22] =	ssyncadd.s32 s4;
	_ =	sdelay $0x1  }
0xa1: {  	s23 =	simm.s32 $0x1B8B  }
0xa2: {  	_ =	swait.ge [sflag:s23], $0x1  }
0xa3: {  	[sflag:s23] =	ssyncset.done $0x0  }
0xa4: {  	s25 =	simm.s32 $0x1B8E;
	s24 =	sld [smem:$0x3FFE];
	[sflag:s23] =	ssyncadd.s32 $0xFFFFFFFF  }
0xa5: {  	s26 =	simm.s32 $execute0_lowered;
	[smem:$0x3FD2] =	sst s25  }
0xa6: {  	s5 =	sshll.u32 s26, $0x1;
	_ =	strace $0x80000046;
	[dreg:$0x1] =	wrdreg $0xFFFFFFFF  }
0xa7: {  	s28 =	simm.s32 $_size_execute0_lowered;
	s3 =	sadd.s32 s3, s5;
	[dreg:$0x0] =	wrdreg $0x0  }
0xa8: {  	s5 =	sshll.u32 s28, $0x1;
	[dreg:$0x2] =	wrdreg s3  }
0xa9: {  	[dreg:$0x3] =	wrdreg s5  }
0xaa: {  	[dreg:$0x4] =	wrdreg $0xC0  }
0xab: {  	_ =	task [dreg:s7], $0x5FFFF  }
0xac: {  	[dreg:$0x1] =	wrdreg $0xFFFFFFFF  }
0xad: {  	[dreg:$0x0] =	wrdreg $0x60  }
0xae: {  	[dreg:$0x2] =	wrdreg s2  }
0xaf: {  	[dreg:$0x3] =	wrdreg s24  }
0xb0: {  	[dreg:$0x4] =	wrdreg $0x9  }
0xb1: {  	_ =	task.clear_ibuf [dreg:s7], $0x5FFFF;
	_ =	strace $0x90000046  }
0xb2: {  	s29 =	simm.s32 $0x9;
	_ =	strace $0x80000048  }
0xb3: {  	_ =	swait.ge [sflag:s29], $0x1  }
0xb4: {  	[sflag:s29] =	ssyncadd.s32 $0xFFFFFFFF  }
0xb5: {  	_ =	strace $0x90000048  }
0xb6: {  	_ =	sfence  }
0xb7: {  	s30 =	sld [smem:$0x0];
	_ =	sdelay $0x2  }
0xb8: {  	s31 =	sshll.u32 s1, $0xD;
	s1 =	sshrl.u32 s1, $0x2  }
0xb9: {  	s3 =	sand.u32 $0x4000, s31;
	s1 =	sadd.s32 s1, s30  }
0xba: {  	s0 =	sor.u32 s3, s0;
	s1 =	sshll.u32 s1, $0x11  }
0xbb: {  	s0 =	sor.u32 s1, s0  }
0xbc: {  	s0 =	sadd.s32 $0x8F2B, s0  }
0xbd: {  	[sflag:s0] =	ssyncadd.remote.s32 $0x1  }
0xbe: {  	_ =	sfence.sel $0xFFFF  }
0xbf: {  	[dreg:$0x0] =	wrdreg $0xFFFFFFFF;
	(pc) =	sbr.abs _section_cstart, $3  }
0xc0: {  	[dreg:$0x1] =	wrdreg $0xFFFFFFFF  }
0xc1: {  	_ =	task.clear_ibuf [dreg:s7], $0x2FFFF;
	_ =	strace $0x9FFFFFFF  }
0xc2: {  	(tm) =	ssettm $0x7FFFFFFF  }
0xc3: {  	_ =	shalt  }
tec
execute0_lowered:
.L_overlay_start_1:
0x0: {  	(tag) =	ssettag $0x1  }
0x1: {  	s1 =	srdreg.scid;
	s2 =	rddreg [dreg:$0x0]  }
0x2: {  	s0 =	stileid.u32;
	s17 =	rddreg [dreg:$0x1];
	s3 =	simm.s32 $0x0  }
0x3: {  	s16 =	sand.u32 $0x1, s1;
	s29 =	sshll.u32 s0, $0x1;
	s1 =	rddreg [dreg:$0x2]  }
0x4: {  	[smem:$0x7FF] =	sst s3;
	s18 =	sor.u32 s16, s29  }
0x5: {  	s9 =	sadd.s32 $0xC00, s17;
	s4 =	sshll.u32 s18, $0x3;
	s5 =	sshll.u32 s18, $0x6  }
0x6: {  	_ =	strace $0x80000047;
	s6 =	smin.u32 s4, $0xC0;
	s7 =	smin.u32 s5, $0x790  }
0x7: {  	s4 =	sshrl.u32 s6, $0x3;
	s5 =	sshrl.u32 s7, $0x3;
	s7 =	sadd.s32 $0x898, s7  }
0x8: {  	s30 =	sadd.s32 $0x1068, s6;
	s8 =	sadd.s32 s9, s4;
	s4 =	sadd.s32 s9, s5  }
0x9: {  	[tilespmem:s3], [sflag:$0x1] =	stream.linear.gather [hbm4b:s4+s3], $0x40, $0x38;
	[tilespmem:$0x4900] =	vst v63  }
0xa: {  	s6 =	simm.s32 $0x40;
	s7 =	sshrl.u32 s7, $0x3;
	s5 =	sadd.s32 $0xFA, s8  }
0xb: {  	[tilespmem:s6], [sflag:$0x1] =	stream.linear.gather [hbm4b:s5+s3], $0x8, $0x38;
	[tilespmem:$0x4900] =	vst v63  }
0xc: {  	s10 =	sshrl.u32 s30, $0x3;
	s7 =	sadd.s32 s9, s7;
	s8 =	simm.s32 $0x80  }
0xd: {  	[tilespmem:s8], [sflag:$0x1] =	stream.linear.gather [hbm4b:s7+s3], $0x40, $0x38;
	[tilespmem:$0x4900] =	vst v63  }
0xe: {  	s11 =	simm.s32 $0x1;
	s9 =	sadd.s32 s9, s10;
	s10 =	simm.s32 $0xC0  }
0xf: {  	[tilespmem:s10], [sflag:$0x1] =	stream.linear.gather [hbm4b:s9+s3], $0x8, $0x38;
	[tilespmem:$0x4900] =	vst v63  }
0x10: {  	_ =	swait.ge [sflag:s11], $0x40  }
0x11: {  	[sflag:s11] =	ssyncset.done $0x0  }
0x12: {  	[sflag:s11] =	ssyncadd.s32 $0xFFFFFFC0  }
0x13: {  	_ =	swait.ge [sflag:s11], $0x8  }
0x14: {  	[sflag:s11] =	ssyncset.done $0x0  }
0x15: {  	[sflag:s11] =	ssyncadd.s32 $0xFFFFFFF8  }
0x16: {  	_ =	swait.ge [sflag:s11], $0x40  }
0x17: {  	[sflag:s11] =	ssyncset.done $0x0  }
0x18: {  	[sflag:s11] =	ssyncadd.s32 $0xFFFFFFC0  }
0x19: {  	_ =	swait.ge [sflag:s11], $0x8  }
0x1a: {  	s12 =	simm.s32 $0x48;
	[sflag:s11] =	ssyncset.done $0x0  }
0x1b: {  	s13 =	simm.s32 $0x100;
	s14 =	simm.s32 $0x2500;
	[sflag:s11] =	ssyncadd.s32 $0xFFFFFFF8  }
0x1c: {  	[tilespmem:s13], [sflag:$0x2] =	stream.indirect.gather [hbm4b:s2+s12], $0x80, s3, s12, $0xb8;
	[tilespmem:$0x4900] =	vst v63  }
0x1d: {  	s15 =	simm.s32 $0x2;
	s16 =	ssub.s32 $0x2, s16;
	s18 =	smul.u32 $0x480, s18  }
0x1e: {  	[tilespmem:s14], [sflag:$0x2] =	stream.indirect.gather [hbm4b:s2+s12], $0x80, s8, s12, $0xb8;
	[tilespmem:$0x4900] =	vst v63  }
0x1f: {  	s31 =	sshrl.u32 s16, $0x1;
	_ =	swait.ge [sflag:s15], $0x2400  }
0x20: {  	s17 =	sadd.s32 s18, s17;
	s18 =	ssub.s32 s16, s31;
	[sflag:s15] =	ssyncset.done $0x0  }
0x21: {  	s20 =	smax.u32 s18, $0x1;
	[sflag:s15] =	ssyncadd.s32 $0xFFFFDC00  }
0x22: {  	s19 =	simm.s32 $0x48000;
	p0 =	sne.s32 s20, $0x1;
	_ =	swait.ge [sflag:s15], $0x2400  }
.Ltmp0:
0x23: {  	s16 =	sadd.s32 $0x1000, s17;
	[sflag:s15] =	ssyncset.done $0x0;
	(pc) =	sbr.rel @!p0 .LBB2_2-.Ltmp0, $4  }
0x24: {  	s17 =	simm.s32 $0x2400;
	s18 =	simm.s32 $0x3;
	[sflag:s15] =	ssyncadd.s32 $0xFFFFDC00  }
0x25: {  	[hbm4b:s16+s17] =	stream.strided.scatter [tilespmem:s13], [sflag:$0x3], $0x4800, s19, s17, $0x38;
	[tilespmem:$0x4900] =	vst v63  }
0x26: {  	_ =	swait.ge [sflag:s18], $0x4800  }
0x27: {  	s20 =	sadd.s32 $0xFFFFFFFF, s20;
	[sflag:s18] =	ssyncset.done $0x0  }
.LBB2_1:
0x28: {  	p0 =	sne.s32 s20, $0x1;
	s20 =	sadd.s32 $0xFFFFFFFF, s20;
	[sflag:s18] =	ssyncadd.s32 $0xFFFFB800  }
0x29: {  	[tilespmem:s3], [sflag:$0x1] =	stream.linear.gather [hbm4b:s4+s3], $0x40, $0x38;
	[tilespmem:$0x4900] =	vst v63  }
0x2a: {  	_ = 	snop  }
0x2b: {  	[tilespmem:s6], [sflag:$0x1] =	stream.linear.gather [hbm4b:s5+s3], $0x8, $0x38;
	[tilespmem:$0x4900] =	vst v63  }
0x2c: {  	_ = 	snop  }
0x2d: {  	[tilespmem:s8], [sflag:$0x1] =	stream.linear.gather [hbm4b:s7+s3], $0x40, $0x38;
	[tilespmem:$0x4900] =	vst v63  }
0x2e: {  	_ = 	snop  }
0x2f: {  	[tilespmem:s10], [sflag:$0x1] =	stream.linear.gather [hbm4b:s9+s3], $0x8, $0x38;
	[tilespmem:$0x4900] =	vst v63  }
0x30: {  	_ =	swait.ge [sflag:s11], $0x40  }
0x31: {  	[sflag:s11] =	ssyncset.done $0x0  }
0x32: {  	[sflag:s11] =	ssyncadd.s32 $0xFFFFFFC0  }
0x33: {  	_ =	swait.ge [sflag:s11], $0x8  }
0x34: {  	[sflag:s11] =	ssyncset.done $0x0  }
0x35: {  	[sflag:s11] =	ssyncadd.s32 $0xFFFFFFF8  }
0x36: {  	_ =	swait.ge [sflag:s11], $0x40  }
0x37: {  	[sflag:s11] =	ssyncset.done $0x0  }
0x38: {  	[sflag:s11] =	ssyncadd.s32 $0xFFFFFFC0  }
0x39: {  	_ =	swait.ge [sflag:s11], $0x8  }
0x3a: {  	[sflag:s11] =	ssyncset.done $0x0  }
0x3b: {  	[sflag:s11] =	ssyncadd.s32 $0xFFFFFFF8  }
0x3c: {  	[tilespmem:s13], [sflag:$0x2] =	stream.indirect.gather [hbm4b:s2+s12], $0x80, s3, s12, $0xb8;
	[tilespmem:$0x4900] =	vst v63  }
0x3d: {  	_ = 	snop  }
0x3e: {  	[tilespmem:s14], [sflag:$0x2] =	stream.indirect.gather [hbm4b:s2+s12], $0x80, s8, s12, $0xb8;
	[tilespmem:$0x4900] =	vst v63  }
0x3f: {  	_ =	swait.ge [sflag:s15], $0x2400  }
0x40: {  	[sflag:s15] =	ssyncset.done $0x0  }
0x41: {  	[sflag:s15] =	ssyncadd.s32 $0xFFFFDC00  }
0x42: {  	_ =	swait.ge [sflag:s15], $0x2400  }
.Ltmp1:
0x43: {  	[sflag:s15] =	ssyncset.done $0x0;
	(pc) =	sbr.rel @p0 .LBB2_1-.Ltmp1, $4  }
0x44: {  	[sflag:s15] =	ssyncadd.s32 $0xFFFFDC00  }
0x45: {  	[hbm4b:s16+s17] =	stream.strided.scatter [tilespmem:s13], [sflag:$0x3], $0x4800, s19, s17, $0x38;
	[tilespmem:$0x4900] =	vst v63  }
0x46: {  	_ =	swait.ge [sflag:s18], $0x4800  }
0x47: {  	[sflag:s18] =	ssyncset.done $0x0  }
.LBB2_2:
0x48: {  	[sflag:s18] =	ssyncadd.s32 $0xFFFFB800  }
0x49: {  	_ =	sfence.sel $0x180000  }
0x4a: {  	[bflag:$0x0] =	sbarrier.arrive $0xFFFF  }
0x4b: {  	p0 =	sne.s32 s0, $0x0;
	_ =	strace $0x90000047  }
0x4c: {  	s0 =	sadd.s32 @!p0 $0x100000, s1;
	[bflag:$0x2] =	sbarrier.arrive $0xFFFF  }
0x4d: {  	[sflag:s0] =	ssyncadd.tile.s32 @!p0 $0x1;
	_ =	shalt  }
.Lfunc_end2:
_tile_overlayer_lowered:
.L_overlay_start_2:
0x4e: {  	(tag) =	ssettag $0x2  }
0x4f: {  	s0 =	rddreg [dreg:$0x0];
	s2 =	stileid.u32  }
0x50: {  	s1 =	rddreg [dreg:$0x1];
	p0 =	sne.s32 s2, $0x0  }
0x51: {  	s3 =	rddreg [dreg:$0x2];
	[bflag:$0x3] =	sbarrier.arrive $0xFFFF;
	s2 =	simm.s32 @!p0 $0x1C03  }
0x52: {  	[timem:s3], [sflag:s2] =	dma.local @!p0 [hbm:s0], s1  }
0x53: {  	s0 =	simm.s32 @!p0 $0x3  }
0x54: {  	_ =	swait.ge @!p0 [sflag:s0], s1  }
0x55: {  	s1 =	ssub.s32 @!p0 $0x0, s1;
	[sflag:s0] =	ssyncset.done @!p0 $0x0  }
0x56: {  	[sflag:s0] =	ssyncadd.s32 @!p0 s1  }
0x57: {  	[bflag:$0x3] =	sbarrier.arrive $0xFFFF  }
0x58: {  	_ =	shalt  }

</sc_bundles>
